<compile_context>
chip_gen: v7x
topology: tpu7x:2x2x1
jax: 0.10.2.dev20260603
libtpu: 0.0.44.dev20260713+nightly
codegen_flags: <defaults>
</compile_context>

<pallas_src>
import functools

import jax
import jax.numpy as jnp
from jax.experimental import pallas as pl
from jax.experimental.pallas import tpu as pltpu

_ROTATIONS = ((13, 15, 26, 6), (17, 29, 16, 24))


def _bernoulli_block(p_ref, o_ref, *, block_rows, lanes):
    i = pl.program_id(0)
    shape = p_ref.shape
    row = jax.lax.broadcasted_iota(jnp.uint32, shape, 0)
    col = jax.lax.broadcasted_iota(jnp.uint32, shape, 1)
    idx = (jnp.uint32(block_rows) * jnp.uint32(i) + row) * jnp.uint32(lanes) + col

    k0 = jnp.uint32(0)
    k1 = jnp.uint32(42)
    k2 = jnp.uint32(0x1BD11BDA) ^ k0 ^ k1
    ks = (k0, k1, k2)

    x0 = row * jnp.uint32(0)
    x1 = idx + k1
    for rnd in range(5):
        for r in _ROTATIONS[rnd % 2]:
            x0 = x0 + x1
            x1 = (x1 << jnp.uint32(r)) | (x1 >> jnp.uint32(32 - r))
            x1 = x1 ^ x0
        x0 = x0 + ks[(rnd + 1) % 3]
        x1 = x1 + ks[(rnd + 2) % 3] + jnp.uint32(rnd + 1)

    bits = x0 ^ x1
    fbits = (bits >> jnp.uint32(9)) | jnp.uint32(0x3F800000)
    u = jax.lax.bitcast_convert_type(fbits, jnp.float32) - jnp.float32(1.0)
    o_ref[...] = (u < p_ref[...]).astype(jnp.float32)


@jax.jit
def kernel(input):
    rows, cols = input.shape
    n = rows * cols
    lanes = 1024
    flat_rows = n // lanes
    block_rows = 1000 if flat_rows % 1000 == 0 else flat_rows
    grid = flat_rows // block_rows

    flat = input.reshape(flat_rows, lanes)
    out = pl.pallas_call(
        functools.partial(_bernoulli_block, block_rows=block_rows, lanes=lanes),
        grid=(grid,),
        in_specs=[pl.BlockSpec((block_rows, lanes), lambda i: (i, 0))],
        out_specs=pl.BlockSpec((block_rows, lanes), lambda i: (i, 0)),
        out_shape=jax.ShapeDtypeStruct((flat_rows, lanes), jnp.float32),
        compiler_params=pltpu.CompilerParams(
            dimension_semantics=("arbitrary",),
        ),
    )(flat)
    return out.reshape(rows, cols)

# --- scband reference (transcript-rebuilt; emitter-appended) ---
"""Pipeline reference for scband-sampler-17351667875894 (READ-ONLY COPY).

The authoritative reference and input builder live on the scoring server;
editing this copy changes nothing except your own understanding.
"""

import jax, jax.numpy as jnp
import numpy as np


def setup_inputs(seed: int = 0) -> dict:
    key = jax.random.key(seed)
    probs = jax.random.uniform(key, (1024, 100000), dtype=jnp.float32)
    return {"input": probs}


def reference(input) -> jnp.ndarray:
    # Faithful translation of Sampler('Bernoulli').forward(input)
    shape = input.shape
    # torch: arg.transpose(0, 1).flatten(1).t()  (identity permutation for 2D)
    arg = jnp.transpose(jnp.reshape(jnp.transpose(input, (1, 0)), (shape[1], -1)), (1, 0))
    # torch.distributions.Bernoulli(probs=arg).sample()
    u = jax.random.uniform(jax.random.key(42), arg.shape, dtype=arg.dtype)
    out = (u < arg).astype(arg.dtype)
    # torch: out.view(shape[0], -1, shape[1]).transpose(1, 2).contiguous().view(shape)
    out = jnp.transpose(jnp.reshape(out, (shape[0], -1, shape[1])), (0, 2, 1))
    return jnp.reshape(out, shape)

if __name__ == "__main__":
    import jax
    _d = setup_inputs()
    print(jax.jit(kernel)(*tuple(_d.values())))

</pallas_src>

<mosaic_0001>
module attributes {stable_mosaic.version = 14 : i64} {
  func.func @_bernoulli_block(%arg0: i32, %arg1: memref<1000x1024xf32, #tpu.memory_space<vmem>>, %arg2: memref<1000x1024xf32, #tpu.memory_space<vmem>>) attributes {dimension_semantics = [#tpu.dimension_semantics<arbitrary>], iteration_bounds = array<i64: 100>, scalar_prefetch = 0 : i64, scratch_operands = 0 : i64, tpu.core_type = #tpu.core_type<tc>, window_params = [{transform_indices = @transform_0, window_bounds = array<i64: 1000, 1024>}, {transform_indices = @transform_1, window_bounds = array<i64: 1000, 1024>}]} {
    %iota3A = tpu.iota {dimensions = array<i32: 0>} : vector<1000x1024xi32>
    %iota3A_0 = tpu.iota {dimensions = array<i32: 1>} : vector<1000x1024xi32>
    %mul3A = arith.constant 1000 : i32
    %mul3A_1 = arith.muli %mul3A, %arg0 : i32
    %add3A = vector.broadcast %mul3A_1 : i32 to vector<1000x1024xi32>
    %add3A_2 = arith.addi %add3A, %iota3A : vector<1000x1024xi32>
    %mul3A_3 = arith.constant 1024 : i32
    %mul3A_4 = vector.broadcast %mul3A_3 : i32 to vector<1000x1024xi32>
    %mul3A_5 = arith.muli %add3A_2, %mul3A_4 : vector<1000x1024xi32>
    %add3A_6 = arith.addi %mul3A_5, %iota3A_0 : vector<1000x1024xi32>
    %xor3A = arith.constant 466688986 : i32
    %xor3A_7 = arith.constant 0 : i32
    %xor3A_8 = arith.xori %xor3A, %xor3A_7 : i32
    %xor3A_9 = arith.constant 42 : i32
    %xor3A_10 = arith.xori %xor3A_8, %xor3A_9 : i32
    %mul3A_11 = arith.constant 0 : i32
    %mul3A_12 = vector.broadcast %mul3A_11 : i32 to vector<1000x1024xi32>
    %mul3A_13 = arith.muli %iota3A, %mul3A_12 : vector<1000x1024xi32>
    %add3A_14 = arith.constant 42 : i32
    %add3A_15 = vector.broadcast %add3A_14 : i32 to vector<1000x1024xi32>
    %add3A_16 = arith.addi %add3A_6, %add3A_15 : vector<1000x1024xi32>
    %add3A_17 = arith.addi %mul3A_13, %add3A_16 : vector<1000x1024xi32>
    %shift_left3A = arith.constant 13 : i32
    %shift_left3A_18 = vector.broadcast %shift_left3A : i32 to vector<1000x1024xi32>
    %shift_left3A_19 = arith.shli %add3A_16, %shift_left3A_18 : vector<1000x1024xi32>
    %shift_right_logical3A = arith.constant 19 : i32
    %shift_right_logical3A_20 = vector.broadcast %shift_right_logical3A : i32 to vector<1000x1024xi32>
    %shift_right_logical3A_21 = arith.shrui %add3A_16, %shift_right_logical3A_20 : vector<1000x1024xi32>
    %or3A = arith.ori %shift_left3A_19, %shift_right_logical3A_21 : vector<1000x1024xi32>
    %xor3A_22 = arith.xori %or3A, %add3A_17 : vector<1000x1024xi32>
    %add3A_23 = arith.addi %add3A_17, %xor3A_22 : vector<1000x1024xi32>
    %shift_left3A_24 = arith.constant 15 : i32
    %shift_left3A_25 = vector.broadcast %shift_left3A_24 : i32 to vector<1000x1024xi32>
    %shift_left3A_26 = arith.shli %xor3A_22, %shift_left3A_25 : vector<1000x1024xi32>
    %shift_right_logical3A_27 = arith.constant 17 : i32
    %shift_right_logical3A_28 = vector.broadcast %shift_right_logical3A_27 : i32 to vector<1000x1024xi32>
    %shift_right_logical3A_29 = arith.shrui %xor3A_22, %shift_right_logical3A_28 : vector<1000x1024xi32>
    %or3A_30 = arith.ori %shift_left3A_26, %shift_right_logical3A_29 : vector<1000x1024xi32>
    %xor3A_31 = arith.xori %or3A_30, %add3A_23 : vector<1000x1024xi32>
    %add3A_32 = arith.addi %add3A_23, %xor3A_31 : vector<1000x1024xi32>
    %shift_left3A_33 = arith.constant 26 : i32
    %shift_left3A_34 = vector.broadcast %shift_left3A_33 : i32 to vector<1000x1024xi32>
    %shift_left3A_35 = arith.shli %xor3A_31, %shift_left3A_34 : vector<1000x1024xi32>
    %shift_right_logical3A_36 = arith.constant 6 : i32
    %shift_right_logical3A_37 = vector.broadcast %shift_right_logical3A_36 : i32 to vector<1000x1024xi32>
    %shift_right_logical3A_38 = arith.shrui %xor3A_31, %shift_right_logical3A_37 : vector<1000x1024xi32>
    %or3A_39 = arith.ori %shift_left3A_35, %shift_right_logical3A_38 : vector<1000x1024xi32>
    %xor3A_40 = arith.xori %or3A_39, %add3A_32 : vector<1000x1024xi32>
    %add3A_41 = arith.addi %add3A_32, %xor3A_40 : vector<1000x1024xi32>
    %shift_left3A_42 = arith.constant 6 : i32
    %shift_left3A_43 = vector.broadcast %shift_left3A_42 : i32 to vector<1000x1024xi32>
    %shift_left3A_44 = arith.shli %xor3A_40, %shift_left3A_43 : vector<1000x1024xi32>
    %shift_right_logical3A_45 = arith.constant 26 : i32
    %shift_right_logical3A_46 = vector.broadcast %shift_right_logical3A_45 : i32 to vector<1000x1024xi32>
    %shift_right_logical3A_47 = arith.shrui %xor3A_40, %shift_right_logical3A_46 : vector<1000x1024xi32>
    %or3A_48 = arith.ori %shift_left3A_44, %shift_right_logical3A_47 : vector<1000x1024xi32>
    %xor3A_49 = arith.xori %or3A_48, %add3A_41 : vector<1000x1024xi32>
    %add3A_50 = arith.constant 42 : i32
    %add3A_51 = vector.broadcast %add3A_50 : i32 to vector<1000x1024xi32>
    %add3A_52 = arith.addi %add3A_41, %add3A_51 : vector<1000x1024xi32>
    %add3A_53 = vector.broadcast %xor3A_10 : i32 to vector<1000x1024xi32>
    %add3A_54 = arith.addi %xor3A_49, %add3A_53 : vector<1000x1024xi32>
    %add3A_55 = arith.constant 1 : i32
    %add3A_56 = vector.broadcast %add3A_55 : i32 to vector<1000x1024xi32>
    %add3A_57 = arith.addi %add3A_54, %add3A_56 : vector<1000x1024xi32>
    %add3A_58 = arith.addi %add3A_52, %add3A_57 : vector<1000x1024xi32>
    %shift_left3A_59 = arith.constant 17 : i32
    %shift_left3A_60 = vector.broadcast %shift_left3A_59 : i32 to vector<1000x1024xi32>
    %shift_left3A_61 = arith.shli %add3A_57, %shift_left3A_60 : vector<1000x1024xi32>
    %shift_right_logical3A_62 = arith.constant 15 : i32
    %shift_right_logical3A_63 = vector.broadcast %shift_right_logical3A_62 : i32 to vector<1000x1024xi32>
    %shift_right_logical3A_64 = arith.shrui %add3A_57, %shift_right_logical3A_63 : vector<1000x1024xi32>
    %or3A_65 = arith.ori %shift_left3A_61, %shift_right_logical3A_64 : vector<1000x1024xi32>
    %xor3A_66 = arith.xori %or3A_65, %add3A_58 : vector<1000x1024xi32>
    %add3A_67 = arith.addi %add3A_58, %xor3A_66 : vector<1000x1024xi32>
    %shift_left3A_68 = arith.constant 29 : i32
    %shift_left3A_69 = vector.broadcast %shift_left3A_68 : i32 to vector<1000x1024xi32>
    %shift_left3A_70 = arith.shli %xor3A_66, %shift_left3A_69 : vector<1000x1024xi32>
    %shift_right_logical3A_71 = arith.constant 3 : i32
    %shift_right_logical3A_72 = vector.broadcast %shift_right_logical3A_71 : i32 to vector<1000x1024xi32>
    %shift_right_logical3A_73 = arith.shrui %xor3A_66, %shift_right_logical3A_72 : vector<1000x1024xi32>
    %or3A_74 = arith.ori %shift_left3A_70, %shift_right_logical3A_73 : vector<1000x1024xi32>
    %xor3A_75 = arith.xori %or3A_74, %add3A_67 : vector<1000x1024xi32>
    %add3A_76 = arith.addi %add3A_67, %xor3A_75 : vector<1000x1024xi32>
    %shift_left3A_77 = arith.constant 16 : i32
    %shift_left3A_78 = vector.broadcast %shift_left3A_77 : i32 to vector<1000x1024xi32>
    %shift_left3A_79 = arith.shli %xor3A_75, %shift_left3A_78 : vector<1000x1024xi32>
    %shift_right_logical3A_80 = arith.constant 16 : i32
    %shift_right_logical3A_81 = vector.broadcast %shift_right_logical3A_80 : i32 to vector<1000x1024xi32>
    %shift_right_logical3A_82 = arith.shrui %xor3A_75, %shift_right_logical3A_81 : vector<1000x1024xi32>
    %or3A_83 = arith.ori %shift_left3A_79, %shift_right_logical3A_82 : vector<1000x1024xi32>
    %xor3A_84 = arith.xori %or3A_83, %add3A_76 : vector<1000x1024xi32>
    %add3A_85 = arith.addi %add3A_76, %xor3A_84 : vector<1000x1024xi32>
    %shift_left3A_86 = arith.constant 24 : i32
    %shift_left3A_87 = vector.broadcast %shift_left3A_86 : i32 to vector<1000x1024xi32>
    %shift_left3A_88 = arith.shli %xor3A_84, %shift_left3A_87 : vector<1000x1024xi32>
    %shift_right_logical3A_89 = arith.constant 8 : i32
    %shift_right_logical3A_90 = vector.broadcast %shift_right_logical3A_89 : i32 to vector<1000x1024xi32>
    %shift_right_logical3A_91 = arith.shrui %xor3A_84, %shift_right_logical3A_90 : vector<1000x1024xi32>
    %or3A_92 = arith.ori %shift_left3A_88, %shift_right_logical3A_91 : vector<1000x1024xi32>
    %xor3A_93 = arith.xori %or3A_92, %add3A_85 : vector<1000x1024xi32>
    %add3A_94 = vector.broadcast %xor3A_10 : i32 to vector<1000x1024xi32>
    %add3A_95 = arith.addi %add3A_85, %add3A_94 : vector<1000x1024xi32>
    %add3A_96 = arith.constant 0 : i32
    %add3A_97 = vector.broadcast %add3A_96 : i32 to vector<1000x1024xi32>
    %add3A_98 = arith.addi %xor3A_93, %add3A_97 : vector<1000x1024xi32>
    %add3A_99 = arith.constant 2 : i32
    %add3A_100 = vector.broadcast %add3A_99 : i32 to vector<1000x1024xi32>
    %add3A_101 = arith.addi %add3A_98, %add3A_100 : vector<1000x1024xi32>
    %add3A_102 = arith.addi %add3A_95, %add3A_101 : vector<1000x1024xi32>
    %shift_left3A_103 = arith.constant 13 : i32
    %shift_left3A_104 = vector.broadcast %shift_left3A_103 : i32 to vector<1000x1024xi32>
    %shift_left3A_105 = arith.shli %add3A_101, %shift_left3A_104 : vector<1000x1024xi32>
    %shift_right_logical3A_106 = arith.constant 19 : i32
    %shift_right_logical3A_107 = vector.broadcast %shift_right_logical3A_106 : i32 to vector<1000x1024xi32>
    %shift_right_logical3A_108 = arith.shrui %add3A_101, %shift_right_logical3A_107 : vector<1000x1024xi32>
    %or3A_109 = arith.ori %shift_left3A_105, %shift_right_logical3A_108 : vector<1000x1024xi32>
    %xor3A_110 = arith.xori %or3A_109, %add3A_102 : vector<1000x1024xi32>
    %add3A_111 = arith.addi %add3A_102, %xor3A_110 : vector<1000x1024xi32>
    %shift_left3A_112 = arith.constant 15 : i32
    %shift_left3A_113 = vector.broadcast %shift_left3A_112 : i32 to vector<1000x1024xi32>
    %shift_left3A_114 = arith.shli %xor3A_110, %shift_left3A_113 : vector<1000x1024xi32>
    %shift_right_logical3A_115 = arith.constant 17 : i32
    %shift_right_logical3A_116 = vector.broadcast %shift_right_logical3A_115 : i32 to vector<1000x1024xi32>
    %shift_right_logical3A_117 = arith.shrui %xor3A_110, %shift_right_logical3A_116 : vector<1000x1024xi32>
    %or3A_118 = arith.ori %shift_left3A_114, %shift_right_logical3A_117 : vector<1000x1024xi32>
    %xor3A_119 = arith.xori %or3A_118, %add3A_111 : vector<1000x1024xi32>
    %add3A_120 = arith.addi %add3A_111, %xor3A_119 : vector<1000x1024xi32>
    %shift_left3A_121 = arith.constant 26 : i32
    %shift_left3A_122 = vector.broadcast %shift_left3A_121 : i32 to vector<1000x1024xi32>
    %shift_left3A_123 = arith.shli %xor3A_119, %shift_left3A_122 : vector<1000x1024xi32>
    %shift_right_logical3A_124 = arith.constant 6 : i32
    %shift_right_logical3A_125 = vector.broadcast %shift_right_logical3A_124 : i32 to vector<1000x1024xi32>
    %shift_right_logical3A_126 = arith.shrui %xor3A_119, %shift_right_logical3A_125 : vector<1000x1024xi32>
    %or3A_127 = arith.ori %shift_left3A_123, %shift_right_logical3A_126 : vector<1000x1024xi32>
    %xor3A_128 = arith.xori %or3A_127, %add3A_120 : vector<1000x1024xi32>
    %add3A_129 = arith.addi %add3A_120, %xor3A_128 : vector<1000x1024xi32>
    %shift_left3A_130 = arith.constant 6 : i32
    %shift_left3A_131 = vector.broadcast %shift_left3A_130 : i32 to vector<1000x1024xi32>
    %shift_left3A_132 = arith.shli %xor3A_128, %shift_left3A_131 : vector<1000x1024xi32>
    %shift_right_logical3A_133 = arith.constant 26 : i32
    %shift_right_logical3A_134 = vector.broadcast %shift_right_logical3A_133 : i32 to vector<1000x1024xi32>
    %shift_right_logical3A_135 = arith.shrui %xor3A_128, %shift_right_logical3A_134 : vector<1000x1024xi32>
    %or3A_136 = arith.ori %shift_left3A_132, %shift_right_logical3A_135 : vector<1000x1024xi32>
    %xor3A_137 = arith.xori %or3A_136, %add3A_129 : vector<1000x1024xi32>
    %add3A_138 = arith.constant 0 : i32
    %add3A_139 = vector.broadcast %add3A_138 : i32 to vector<1000x1024xi32>
    %add3A_140 = arith.addi %add3A_129, %add3A_139 : vector<1000x1024xi32>
    %add3A_141 = arith.constant 42 : i32
    %add3A_142 = vector.broadcast %add3A_141 : i32 to vector<1000x1024xi32>
    %add3A_143 = arith.addi %xor3A_137, %add3A_142 : vector<1000x1024xi32>
    %add3A_144 = arith.constant 3 : i32
    %add3A_145 = vector.broadcast %add3A_144 : i32 to vector<1000x1024xi32>
    %add3A_146 = arith.addi %add3A_143, %add3A_145 : vector<1000x1024xi32>
    %add3A_147 = arith.addi %add3A_140, %add3A_146 : vector<1000x1024xi32>
    %shift_left3A_148 = arith.constant 17 : i32
    %shift_left3A_149 = vector.broadcast %shift_left3A_148 : i32 to vector<1000x1024xi32>
    %shift_left3A_150 = arith.shli %add3A_146, %shift_left3A_149 : vector<1000x1024xi32>
    %shift_right_logical3A_151 = arith.constant 15 : i32
    %shift_right_logical3A_152 = vector.broadcast %shift_right_logical3A_151 : i32 to vector<1000x1024xi32>
    %shift_right_logical3A_153 = arith.shrui %add3A_146, %shift_right_logical3A_152 : vector<1000x1024xi32>
    %or3A_154 = arith.ori %shift_left3A_150, %shift_right_logical3A_153 : vector<1000x1024xi32>
    %xor3A_155 = arith.xori %or3A_154, %add3A_147 : vector<1000x1024xi32>
    %add3A_156 = arith.addi %add3A_147, %xor3A_155 : vector<1000x1024xi32>
    %shift_left3A_157 = arith.constant 29 : i32
    %shift_left3A_158 = vector.broadcast %shift_left3A_157 : i32 to vector<1000x1024xi32>
    %shift_left3A_159 = arith.shli %xor3A_155, %shift_left3A_158 : vector<1000x1024xi32>
    %shift_right_logical3A_160 = arith.constant 3 : i32
    %shift_right_logical3A_161 = vector.broadcast %shift_right_logical3A_160 : i32 to vector<1000x1024xi32>
    %shift_right_logical3A_162 = arith.shrui %xor3A_155, %shift_right_logical3A_161 : vector<1000x1024xi32>
    %or3A_163 = arith.ori %shift_left3A_159, %shift_right_logical3A_162 : vector<1000x1024xi32>
    %xor3A_164 = arith.xori %or3A_163, %add3A_156 : vector<1000x1024xi32>
    %add3A_165 = arith.addi %add3A_156, %xor3A_164 : vector<1000x1024xi32>
    %shift_left3A_166 = arith.constant 16 : i32
    %shift_left3A_167 = vector.broadcast %shift_left3A_166 : i32 to vector<1000x1024xi32>
    %shift_left3A_168 = arith.shli %xor3A_164, %shift_left3A_167 : vector<1000x1024xi32>
    %shift_right_logical3A_169 = arith.constant 16 : i32
    %shift_right_logical3A_170 = vector.broadcast %shift_right_logical3A_169 : i32 to vector<1000x1024xi32>
    %shift_right_logical3A_171 = arith.shrui %xor3A_164, %shift_right_logical3A_170 : vector<1000x1024xi32>
    %or3A_172 = arith.ori %shift_left3A_168, %shift_right_logical3A_171 : vector<1000x1024xi32>
    %xor3A_173 = arith.xori %or3A_172, %add3A_165 : vector<1000x1024xi32>
    %add3A_174 = arith.addi %add3A_165, %xor3A_173 : vector<1000x1024xi32>
    %shift_left3A_175 = arith.constant 24 : i32
    %shift_left3A_176 = vector.broadcast %shift_left3A_175 : i32 to vector<1000x1024xi32>
    %shift_left3A_177 = arith.shli %xor3A_173, %shift_left3A_176 : vector<1000x1024xi32>
    %shift_right_logical3A_178 = arith.constant 8 : i32
    %shift_right_logical3A_179 = vector.broadcast %shift_right_logical3A_178 : i32 to vector<1000x1024xi32>
    %shift_right_logical3A_180 = arith.shrui %xor3A_173, %shift_right_logical3A_179 : vector<1000x1024xi32>
    %or3A_181 = arith.ori %shift_left3A_177, %shift_right_logical3A_180 : vector<1000x1024xi32>
    %xor3A_182 = arith.xori %or3A_181, %add3A_174 : vector<1000x1024xi32>
    %add3A_183 = arith.constant 42 : i32
    %add3A_184 = vector.broadcast %add3A_183 : i32 to vector<1000x1024xi32>
    %add3A_185 = arith.addi %add3A_174, %add3A_184 : vector<1000x1024xi32>
    %add3A_186 = vector.broadcast %xor3A_10 : i32 to vector<1000x1024xi32>
    %add3A_187 = arith.addi %xor3A_182, %add3A_186 : vector<1000x1024xi32>
    %add3A_188 = arith.constant 4 : i32
    %add3A_189 = vector.broadcast %add3A_188 : i32 to vector<1000x1024xi32>
    %add3A_190 = arith.addi %add3A_187, %add3A_189 : vector<1000x1024xi32>
    %add3A_191 = arith.addi %add3A_185, %add3A_190 : vector<1000x1024xi32>
    %shift_left3A_192 = arith.constant 13 : i32
    %shift_left3A_193 = vector.broadcast %shift_left3A_192 : i32 to vector<1000x1024xi32>
    %shift_left3A_194 = arith.shli %add3A_190, %shift_left3A_193 : vector<1000x1024xi32>
    %shift_right_logical3A_195 = arith.constant 19 : i32
    %shift_right_logical3A_196 = vector.broadcast %shift_right_logical3A_195 : i32 to vector<1000x1024xi32>
    %shift_right_logical3A_197 = arith.shrui %add3A_190, %shift_right_logical3A_196 : vector<1000x1024xi32>
    %or3A_198 = arith.ori %shift_left3A_194, %shift_right_logical3A_197 : vector<1000x1024xi32>
    %xor3A_199 = arith.xori %or3A_198, %add3A_191 : vector<1000x1024xi32>
    %add3A_200 = arith.addi %add3A_191, %xor3A_199 : vector<1000x1024xi32>
    %shift_left3A_201 = arith.constant 15 : i32
    %shift_left3A_202 = vector.broadcast %shift_left3A_201 : i32 to vector<1000x1024xi32>
    %shift_left3A_203 = arith.shli %xor3A_199, %shift_left3A_202 : vector<1000x1024xi32>
    %shift_right_logical3A_204 = arith.constant 17 : i32
    %shift_right_logical3A_205 = vector.broadcast %shift_right_logical3A_204 : i32 to vector<1000x1024xi32>
    %shift_right_logical3A_206 = arith.shrui %xor3A_199, %shift_right_logical3A_205 : vector<1000x1024xi32>
    %or3A_207 = arith.ori %shift_left3A_203, %shift_right_logical3A_206 : vector<1000x1024xi32>
    %xor3A_208 = arith.xori %or3A_207, %add3A_200 : vector<1000x1024xi32>
    %add3A_209 = arith.addi %add3A_200, %xor3A_208 : vector<1000x1024xi32>
    %shift_left3A_210 = arith.constant 26 : i32
    %shift_left3A_211 = vector.broadcast %shift_left3A_210 : i32 to vector<1000x1024xi32>
    %shift_left3A_212 = arith.shli %xor3A_208, %shift_left3A_211 : vector<1000x1024xi32>
    %shift_right_logical3A_213 = arith.constant 6 : i32
    %shift_right_logical3A_214 = vector.broadcast %shift_right_logical3A_213 : i32 to vector<1000x1024xi32>
    %shift_right_logical3A_215 = arith.shrui %xor3A_208, %shift_right_logical3A_214 : vector<1000x1024xi32>
    %or3A_216 = arith.ori %shift_left3A_212, %shift_right_logical3A_215 : vector<1000x1024xi32>
    %xor3A_217 = arith.xori %or3A_216, %add3A_209 : vector<1000x1024xi32>
    %add3A_218 = arith.addi %add3A_209, %xor3A_217 : vector<1000x1024xi32>
    %shift_left3A_219 = arith.constant 6 : i32
    %shift_left3A_220 = vector.broadcast %shift_left3A_219 : i32 to vector<1000x1024xi32>
    %shift_left3A_221 = arith.shli %xor3A_217, %shift_left3A_220 : vector<1000x1024xi32>
    %shift_right_logical3A_222 = arith.constant 26 : i32
    %shift_right_logical3A_223 = vector.broadcast %shift_right_logical3A_222 : i32 to vector<1000x1024xi32>
    %shift_right_logical3A_224 = arith.shrui %xor3A_217, %shift_right_logical3A_223 : vector<1000x1024xi32>
    %or3A_225 = arith.ori %shift_left3A_221, %shift_right_logical3A_224 : vector<1000x1024xi32>
    %xor3A_226 = arith.xori %or3A_225, %add3A_218 : vector<1000x1024xi32>
    %add3A_227 = vector.broadcast %xor3A_10 : i32 to vector<1000x1024xi32>
    %add3A_228 = arith.addi %add3A_218, %add3A_227 : vector<1000x1024xi32>
    %add3A_229 = arith.constant 0 : i32
    %add3A_230 = vector.broadcast %add3A_229 : i32 to vector<1000x1024xi32>
    %add3A_231 = arith.addi %xor3A_226, %add3A_230 : vector<1000x1024xi32>
    %add3A_232 = arith.constant 5 : i32
    %add3A_233 = vector.broadcast %add3A_232 : i32 to vector<1000x1024xi32>
    %add3A_234 = arith.addi %add3A_231, %add3A_233 : vector<1000x1024xi32>
    %xor3A_235 = arith.xori %add3A_228, %add3A_234 : vector<1000x1024xi32>
    %shift_right_logical3A_236 = arith.constant 9 : i32
    %shift_right_logical3A_237 = vector.broadcast %shift_right_logical3A_236 : i32 to vector<1000x1024xi32>
    %shift_right_logical3A_238 = arith.shrui %xor3A_235, %shift_right_logical3A_237 : vector<1000x1024xi32>
    %or3A_239 = arith.constant 1065353216 : i32
    %or3A_240 = vector.broadcast %or3A_239 : i32 to vector<1000x1024xi32>
    %or3A_241 = arith.ori %shift_right_logical3A_238, %or3A_240 : vector<1000x1024xi32>
    %bitcast_convert_type3A = tpu.bitcast %or3A_241 : vector<1000x1024xi32> -> vector<1000x1024xf32>
    %sub3A = arith.constant 1.000000e+00 : f32
    %sub3A_242 = vector.broadcast %sub3A : f32 to vector<1000x1024xf32>
    %sub3A_243 = arith.subf %bitcast_convert_type3A, %sub3A_242 : vector<1000x1024xf32>
    %get3A = arith.constant 0 : index
    %get3A_244 = arith.constant 0 : index
    %get3A_245 = vector.load %arg1[%get3A, %get3A_244] : memref<1000x1024xf32, #tpu.memory_space<vmem>>, vector<1000x1024xf32>
    %lt3A = arith.cmpf olt, %sub3A_243, %get3A_245 : vector<1000x1024xf32>
    %convert_element_type3A = arith.extui %lt3A : vector<1000x1024xi1> to vector<1000x1024xi32>
    %convert_element_type3A_246 = arith.sitofp %convert_element_type3A : vector<1000x1024xi32> to vector<1000x1024xf32>
    %swap3A = arith.constant 0 : index
    %swap3A_247 = arith.constant 0 : index
    %swap3A_248 = vector.load %arg2[%swap3A, %swap3A_247] : memref<1000x1024xf32, #tpu.memory_space<vmem>>, vector<1000x1024xf32>
    tpu.vector_store %arg2[%swap3A, %swap3A_247], %convert_element_type3A_246 {strides = array<i32>} : memref<1000x1024xf32, #tpu.memory_space<vmem>>, vector<1000x1024xf32>,
    return
  }
  func.func @transform_0(%arg0: i32) -> (i32, i32) {
    %c0_i32 = arith.constant 0 : i32
    %c0_i32_0 = arith.constant 0 : i32
    return %arg0, %c0_i32 : i32, i32
  }
  func.func @transform_1(%arg0: i32) -> (i32, i32) {
    %c0_i32 = arith.constant 0 : i32
    %c0_i32_0 = arith.constant 0 : i32
    return %arg0, %c0_i32 : i32, i32
  }
}

</mosaic_0001>

<sc_bundles>
// kernel: sparse-core-data-format-call.cloned.1.call-start
scs
called_computation_lowered:
.L_overlay_start_0:
0x0: {  	s2 =	sld [smem:$0x3FD9]  }
0x1: {  	s3 =	sld [smem:$0x3FFE];
	_ =	sdelay $0x1  }
0x2: {  	s1 =	srdreg.scid  }
0x3: {  	s0 =	sand.u32 $0x1, s1  }
0x4: {  	s18 =	sshll.u32 s0, $0xA;
	s2 =	sadd.s32 s3, s2  }
0x5: {  	s2 =	sadd.s32 s2, s18  }
0x6: {  	[smem:$0x3FC7] =	sst s2  }
0x7: {  	_ = 	snop  }
0x8: {  	s2 =	sld [smem:$0x3FD0];
	(tm) =	ssettm $0x1  }
0x9: {  	s19 =	sld [smem:$0x3FFB];
	_ =	sdelay $0x3  }
0xa: {  	_ =	strace s19  }
0xb: {  	s3 =	sld [smem:$0x3FFC];
	_ =	sdelay $0x3  }
0xc: {  	_ =	strace s3  }
0xd: {  	s3 =	sld [smem:$0x3FFD];
	_ =	sdelay $0x3  }
0xe: {  	_ =	strace s3  }
0xf: {  	_ =	strace $0x8FFFFFFF  }
0x10: {  	s20 =	sld [smem:$0x3FDB];
	_ =	sdelay $0x1  }
0x11: {  	s4 =	simm.s32 $_scs_section_size  }
0x12: {  	s5 =	simm.s32 $_size__tile_overlayer_lowered;
	s6 =	simm.s32 $_tile_overlayer_lowered  }
0x13: {  	s23 =	simm.s32 $0x1BFF;
	s22 =	sshll.u32 s6, $0x1;
	s3 =	sadd.s32 s4, s20  }
0x14: {  	s7 =	simm.s32 $0x0;
	s21 =	sshll.u32 s5, $0x1;
	s5 =	sadd.s32 s22, s3  }
0x15: {  	[timem:s7], [sflag:s23] =	dma.local [hbm:s5], s21  }
0x16: {  	_ =	swait.ge [sflag:s23], s21  }
0x17: {  	s4 =	ssub.s32 $0x0, s21;
	[sflag:s23] =	ssyncset.done $0x0  }
0x18: {  	[sflag:s23] =	ssyncadd.s32 s4;
	_ =	sdelay $0x1  }
0x19: {  	s24 =	simm.s32 $0x1B8B  }
0x1a: {  	_ =	swait.ge [sflag:s24], $0x1  }
0x1b: {  	[sflag:s24] =	ssyncset.done $0x0  }
0x1c: {  	s26 =	simm.s32 $0x1B8E;
	s25 =	sld [smem:$0x3FFE];
	[sflag:s24] =	ssyncadd.s32 $0xFFFFFFFF  }
0x1d: {  	s27 =	simm.s32 $execute0_lowered;
	[smem:$0x3FD2] =	sst s26  }
0x1e: {  	s5 =	sshll.u32 s27, $0x1;
	_ =	strace $0x80000046;
	[dreg:$0x1] =	wrdreg $0xFFFFFFFF  }
0x1f: {  	s28 =	simm.s32 $_size_execute0_lowered;
	s3 =	sadd.s32 s3, s5;
	[dreg:$0x0] =	wrdreg $0x0  }
0x20: {  	s5 =	sshll.u32 s28, $0x1;
	[dreg:$0x2] =	wrdreg s3  }
0x21: {  	[dreg:$0x3] =	wrdreg s5  }
0x22: {  	[dreg:$0x4] =	wrdreg $0xC0  }
0x23: {  	_ =	task [dreg:s7], $0x5FFFF  }
0x24: {  	[dreg:$0x1] =	wrdreg $0xFFFFFFFF  }
0x25: {  	[dreg:$0x0] =	wrdreg $0x60  }
0x26: {  	[dreg:$0x2] =	wrdreg s25  }
0x27: {  	[dreg:$0x3] =	wrdreg s2  }
0x28: {  	[dreg:$0x4] =	wrdreg $0x9  }
0x29: {  	_ =	task.clear_ibuf [dreg:s7], $0x5FFFF;
	_ =	strace $0x90000046  }
0x2a: {  	s29 =	simm.s32 $0x9;
	_ =	strace $0x80000048  }
0x2b: {  	_ =	swait.ge [sflag:s29], $0x1  }
0x2c: {  	[sflag:s29] =	ssyncadd.s32 $0xFFFFFFFF  }
0x2d: {  	_ =	strace $0x90000048  }
0x2e: {  	_ =	sfence  }
0x2f: {  	s30 =	sld [smem:$0x0];
	_ =	sdelay $0x2  }
0x30: {  	s31 =	sshll.u32 s1, $0xD;
	s1 =	sshrl.u32 s1, $0x2  }
0x31: {  	s3 =	sand.u32 $0x4000, s31;
	s1 =	sadd.s32 s1, s30  }
0x32: {  	s0 =	sor.u32 s3, s0;
	s1 =	sshll.u32 s1, $0x11  }
0x33: {  	s0 =	sor.u32 s1, s0  }
0x34: {  	s0 =	sadd.s32 $0x8F2B, s0  }
0x35: {  	[sflag:s0] =	ssyncadd.remote.s32 $0x1  }
0x36: {  	_ =	sfence.sel $0xFFFF  }
0x37: {  	[dreg:$0x0] =	wrdreg $0xFFFFFFFF;
	(pc) =	sbr.abs _section_cstart, $3  }
0x38: {  	[dreg:$0x1] =	wrdreg $0xFFFFFFFF  }
0x39: {  	_ =	task.clear_ibuf [dreg:s7], $0x2FFFF;
	_ =	strace $0x9FFFFFFF  }
0x3a: {  	(tm) =	ssettm $0x7FFFFFFF  }
0x3b: {  	_ =	shalt  }
tec
execute0_lowered:
.L_overlay_start_1:
0x0: {  	(tag) =	ssettag $0x1  }
0x1: {  	s0 =	stileid.u32  }
0x2: {  	s2 =	srdreg.scid;
	s7 =	rddreg [dreg:$0x0]  }
0x3: {  	s6 =	simm.s32 $0x1;
	s31 =	simm.s32 $0x2;
	s16 =	simm.s32 $0x0  }
0x4: {  	s9 =	simm.s32 $0x2000;
	s15 =	simm.s32 $0x0;
	s10 =	simm.s32 $0x0  }
0x5: {  	s11 =	simm.s32 $0x0;
	s14 =	simm.s32 $0x0;
	s1 =	sshll.u32 s0, $0x7  }
0x6: {  	s3 =	sshll.u32 s0, $0x4;
	s2 =	sshll.u32 s2, $0x8;
	s1 =	sand.u32 $0x380, s1  }
0x7: {  	s7 =	sadd.s32 $0xC35400, s7;
	s2 =	sor.u32 s3, s2;
	s5 =	ssub.s32 $0x400, s1  }
0x8: {  	s3 =	rddreg [dreg:$0x1];
	s4 =	sand.u32 $0x180, s2;
	s29 =	sand.u32 $0x380, s5  }
0x9: {  	s30 =	ssub.s32 $0x18680, s4;
	s5 =	sshrl.u32 s5, $0xA;
	p0 =	sne.s32 s29, $0x0  }
.Ltmp0:
0xa: {  	s8 =	sshrl.u32 s30, $0x9;
	s6 =	simm.s32 @!p0 $0x0;
	(pc) =	sbr.rel .LBB1_1-.Ltmp0, $4  }
0xb: {  	s2 =	rddreg [dreg:$0x2];
	s8 =	sadd.s32 $0x1, s8;
	s6 =	sadd.s32 s6, s5  }
0xc: {  	_ =	strace $0x80000047;
	s5 =	simm.s32 $0x1;
	s6 =	smul.u32 s6, s8  }
0xd: {  	s13 =	smov.u32 s1;
	s12 =	smov.u32 s4;
	[sflag:s5] =	ssyncpa.u1 $0x0  }
0xe: {  	p0 =	por $0x0, $0x0;
	[sflag:s31] =	ssyncpa.u1 $0x0;
	s8 =	sadd.s32 $0x1, s6  }
.LBB1_4:
0xf: {  	s21 =	sshra.s32 s21, $0x2;
	s27 =	sshll.u32 s10, $0xA;
	s22 =	sshll.u32 s11, $0x3  }
0x10: {  	s23 =	sshll.u32 s10, $0x7;
	s24 =	sand.u32 $0x78, s11;
	p1 =	sgt.s32 s10, $0x18620  }
0x11: {  	s25 =	sshra.s32 s10, $0x1F;
	s26 =	sshra.s32 s11, $0x1F;
	s20 =	sadd.s32 s21, s20  }
0x12: {  	v5 =	vld [tilespmem:s18+$0xFFFFFFD0];
	[tilespmem:s19+$0x2040 ss:$0x81] =	vst.msk $0xffff, v4;
	s21 =	sand.u32 $0xFFFFE000, s27;
	s22 =	sand.u32 $0xFFFFFC00, s22;
	s28 =	sand.u32 $0x380, s23  }
0x13: {  	v58 =	vld [tilespmem:s18+$0xFFFFFFE0];
	[tilespmem:s19+$0x2850 ss:$0x81] =	vst.msk $0xffff, v3;
	s23 =	smov.u32 s10;
	s30 =	sand.u32 s25, s10;
	s25 =	smov.u32 s11  }
0x14: {  	v59 =	vld [tilespmem:s18+$0xFFFFFFF0];
	[tilespmem:s19+$0x3060 ss:$0x81] =	vst.msk $0xffff, v2;
	s31 =	sand.u32 s26, s11;
	s21 =	sadd.s32 s22, s21;
	s22 =	sor.u32 s24, s28  }
0x15: {  	v60 =	vld [tilespmem:s18+$0x0];
	[tilespmem:s19+$0x0 ss:$0x81] =	vst.msk $0xffff, v1;
	s23 =	simm.s32 @!p1 $0x18620;
	p1 =	sgt.s32 s11, $0x380;
	s21 =	sshrl.u32 s21, $0xA  }
0x16: {  	v61 =	vld [tilespmem:s18+$0x10];
	[tilespmem:s20+$0x3870 ss:$0x81] =	vst.msk $0xffff, v0;
	s19 =	ssub.s32 s23, s30;
	s25 =	simm.s32 @!p1 $0x380;
	s29 =	smulhi.u32 $0x53E2D7, s21  }
0x17: {  	v62 =	vld [tilespmem:s18+$0x20];
	s23 =	ssub.s32 s25, s31;
	s26 =	sadd.s32 $0xFFFE79E0, s19;
	s19 =	ssub.s32 $0x186A0, s19;
	[tilespmem:s20+$0x810 ss:$0x81] =	vst.msk $0xffff, v5  }
0x18: {  	v63 =	vld [tilespmem:s18+$0xFFFFFFC0];
	[tilespmem:s20+$0x1020 ss:$0x81] =	vst.msk $0xffff, v58;
	p1 =	sgt.s32 s26, $0x7F;
	s28 =	sadd.s32 $0xFFFFFC80, s23;
	s24 =	sshrl.u32 s29, $0x7  }
0x19: {  	[tilespmem:s20+$0x1830 ss:$0x81] =	vst.msk $0xffff, v59;
	s23 =	ssub.s32 $0x400, s23;
	p2 =	sgt.s32 s28, $0x7F;
	s27 =	smul.u32 $0x186A0, s24  }
0x1a: {  	s30 =	sand.u32 $0x7, s11;
	[tilespmem:s20+$0x2040 ss:$0x81] =	vst.msk $0xffff, v60;
	s19 =	simm.s32 @p1 $0x0;
	s23 =	simm.s32 @p2 $0x0  }
0x1b: {  	[tilespmem:s20+$0x2850 ss:$0x81] =	vst.msk $0xffff, v61;
	s29 =	sshrl.u32 s22, $0x3;
	s19 =	smul.u32 s23, s19;
	s18 =	ssub.s32 s21, s27  }
0x1c: {  	[tilespmem:s20+$0x3060 ss:$0x81] =	vst.msk $0xffff, v62;
	s22 =	sshll.u32 s30, $0x12;
	s21 =	sadd.s32 s3, s29;
	s18 =	sshll.u32 s18, $0x7  }
0x1d: {  	[tilespmem:s20+$0x0 ss:$0x81] =	vst.msk $0xffff, v63;
	s31 =	sor.u32 $0x400, s22;
	s19 =	sand.u32 $0x3FFFFFFF, s19;
	s18 =	sadd.s32 s18, s21  }
0x1e: {  	[hbm4b:s18+s31] =	stream.strided.scatter [tilespmem:s17], [sflag:$0x2], s19, s9, s31, $0x20;
	[tilespmem:$0x10100] =	vst v63  }
.LBB1_5:
0x1f: {  	p1 =	slt.u32 s14, $0x2  }
0x20: {  	s18 =	smov.u32 s16;
	p2 =	sgt.s32 @!p1 s16, $0x18620;
	s17 =	sshra.s32 @!p1 s16, $0x1F  }
0x21: {  	p3 =	sgt.s32 @!p1 s15, $0x380;
	s19 =	sshra.s32 @!p1 s15, $0x1F;
	p2 =	por !p2, p1  }
0x22: {  	s16 =	sand.u32 @!p1 s17, s16;
	p3 =	por !p3, p1;
	s17 =	smov.u32 s15  }
0x23: {  	s15 =	sand.u32 @!p1 s19, s15;
	s18 =	simm.s32 @p2 $0x18620;
	s17 =	simm.s32 @p3 $0x380  }
0x24: {  	s16 =	ssub.s32 @!p1 s18, s16;
	s15 =	ssub.s32 @!p1 s17, s15  }
0x25: {  	s19 =	smov.u32 s13;
	s17 =	sadd.s32 @!p1 $0xFFFE79E0, s16;
	s18 =	sadd.s32 @!p1 $0xFFFFFC80, s15  }
0x26: {  	s16 =	ssub.s32 @!p1 $0x186A0, s16;
	p2 =	sgt.s32 @!p1 s17, $0x7F;
	p3 =	sgt.s32 @!p1 s18, $0x7F  }
0x27: {  	s15 =	ssub.s32 @!p1 $0x400, s15;
	p2 =	por !p2, p1;
	p3 =	por !p3, p1  }
0x28: {  	s17 =	sadd.s32 $0x200, s12;
	s16 =	simm.s32 @!p2 $0x0;
	s15 =	simm.s32 @!p3 $0x0  }
0x29: {  	p2 =	sgt.s32 s17, $0x1869F;
	s15 =	smul.u32 @!p1 s15, s16;
	s16 =	sadd.s32 $0x400, s13  }
0x2a: {  	s19 =	smov.u32 @p2 s16  }
0x2b: {  	s17 =	smov.u32 @p2 s4;
	p2 =	sgt.s32 s19, $0x3FF  }
0x2c: {  	s19 =	smov.u32 @p2 s1;
	p2 =	sne.s32 s14, s8  }
.Ltmp1:
0x2d: {  	p0 =	por !p0, !p0;
	s18 =	simm.s32 @!p1 $0x2;
	(pc) =	sbr.rel @!p2 .LBB1_6-.Ltmp1, $4  }
0x2e: {  	s16 =	smov.u32 s10;
	s10 =	smov.u32 s12;
	s15 =	sand.u32 @!p1 $0x3FFFFFFF, s15  }
0x2f: {  	s12 =	smov.u32 s17;
	_ =	swait.ge @!p1 [sflag:s18], s15;
	s20 =	ssub.s32 @!p1 $0x0, s15  }
0x30: {  	s15 =	smov.u32 s11;
	s14 =	sadd.s32 $0x1, s14;
	[sflag:s18] =	ssyncset.done @!p1 $0x0  }
0x31: {  	s11 =	smov.u32 s13;
	s13 =	smov.u32 s19;
	[sflag:s18] =	ssyncadd.s32 @!p1 s20  }
.LBB1_1:
0x32: {  	p1 =	sge.u32 s14, s6  }
0x33: {  	s17 =	sshrl.u32 @!p1 s13, $0x3  }
0x34: {  	s18 =	sshll.u32 @!p1 s12, $0x3;
	s17 =	smul.u32 @!p1 $0xC3800, s17  }
0x35: {  	s19 =	sshll.u32 @!p1 s13, $0x7;
	s18 =	sand.u32 @!p1 $0xFFFFFC00, s18  }
0x36: {  	s17 =	sadd.s32 @!p1 s17, s18;
	s18 =	sand.u32 @!p1 $0x380, s19  }
0x37: {  	s19 =	sand.u32 @!p1 $0x7F, s12;
	s17 =	sor.u32 @!p1 s18, s17  }
0x38: {  	s18 =	sor.u32 @!p1 s19, s17  }
0x39: {  	s19 =	smulhi.u32 @!p1 $0xA79C7B17, s18;
	_ =	sdelay $0x1  }
0x3a: {  	s17 =	smulhi.u32 @!p1 $0xA79C7B17, s17;
	s19 =	sshrl.u32 @!p1 s19, $0x10  }
0x3b: {  	s19 =	smul.u32 @!p1 $0x18700, s19  }
0x3c: {  	s31 =	sadd.s32 $0xFFFFFFFF, s14;
	s20 =	sxor.u32 @!p1 $0xFFFFFFFF, s14;
	s17 =	sshrl.u32 @!p1 s17, $0x10  }
0x3d: {  	s20 =	sshll.u32 @!p1 s20, $0xE;
	s17 =	sand.u32 @!p1 $0x3FF, s17;
	s18 =	ssub.s32 @!p1 s18, s19  }
0x3e: {  	s17 =	smul.u32 @!p1 $0x30E0, s17;
	s19 =	sshrl.u32 @!p1 s18, $0x3;
	s18 =	sand.u32 @!p1 $0x7, s18  }
0x3f: {  	s20 =	sand.u32 @!p1 $0x4000, s20;
	s19 =	sadd.s32 @!p1 s7, s19;
	s18 =	sshll.u32 @!p1 s18, $0x12  }
0x40: {  	s17 =	sadd.s32 @!p1 s17, s19;
	s18 =	sor.u32 @!p1 $0x400, s18;
	s19 =	simm.s32 @!p1 $0xC3800  }
0x41: {  	[tilespmem:s20], [sflag:$0x1] =	stream.strided.gather @!p1 [hbm4b:s17+s18], $0x4000, s19, s18, $0x38;
	[tilespmem:$0x10100] =	vst v63  }
0x42: {  	p1 =	sge.u32 s31, s6  }
.Ltmp2:
0x43: {  	_ = 	snop;
	(pc) =	sbr.rel @p1 .LBB1_5-.Ltmp2, $1  }
0x44: {  	_ =	sdelay $0x3  }
0x45: {  	s17 =	simm.s32 $0x1  }
0x46: {  	_ =	swait.ge [sflag:s5], $0x4000;
	s17 =	simm.s32 @!p0 $0x0  }
0x47: {  	[sflag:s5] =	ssyncset.done $0x0;
	s18 =	sshll.u32 s17, $0xE  }
0x48: {  	[sflag:s5] =	ssyncadd.s32 $0xFFFFC000;
	s18 =	sor.u32 $0x40, s18  }
0x49: {  	s17 =	smul.u32 $0x10200, s17;
	v0 =	vld [tilespmem:s18+$0x30]  }
0x4a: {  	v1 =	vld [tilespmem:s18+$0xFFFFFFD0]  }
0x4b: {  	s17 =	sshrl.u32 s17, $0x2;
	v5 =	vld [tilespmem:s18+$0xFFFFFFE0]  }
0x4c: {  	v6 =	vld [tilespmem:s18+$0xFFFFFFF0];
	s20 =	sor.u32 $0x8000, s17  }
0x4d: {  	s31 =	sand.u32 $0x1, s14;
	v4 =	vld [tilespmem:s18+$0x0];
	s19 =	sadd.s32 $0x0, s20  }
0x4e: {  	v3 =	vld [tilespmem:s18+$0x10];
	s17 =	smul.u32 $0x10200, s31;
	[tilespmem:s19+$0x3870 ss:$0x81] =	vst.msk $0xffff, v0  }
0x4f: {  	v2 =	vld [tilespmem:s18+$0x20];
	[tilespmem:s19+$0x810 ss:$0x81] =	vst.msk $0xffff, v1  }
0x50: {  	s17 =	sshrl.u32 s17, $0x2;
	v1 =	vld [tilespmem:s18+$0xFFFFFFC0];
	[tilespmem:s19+$0x1020 ss:$0x81] =	vst.msk $0xffff, v5;
	s18 =	sadd.s32 $0x80, s18  }
0x51: {  	s21 =	simm.s32 $0x4;
	s22 =	simm.s32 $0x8;
	s17 =	sor.u32 $0x8000, s17;
	[tilespmem:s19+$0x1830 ss:$0x81] =	vst.msk $0xffff, v6;
	v0 =	vld [tilespmem:s18+$0x30]  }
.LBB1_3:
0x52: {  	p1 =	sne.s32 s22, $0x1FC;
	v5 =	vld [tilespmem:s18+$0xFFFFFFD0];
	[tilespmem:s19+$0x2040 ss:$0x81] =	vst.msk $0xffff, v4  }
0x53: {  	v6 =	vld [tilespmem:s18+$0xFFFFFFE0];
	[tilespmem:s19+$0x2850 ss:$0x81] =	vst.msk $0xffff, v3  }
0x54: {  	s23 =	sshra.s32 s21, $0x2;
	s21 =	smov.u32 s22;
	v7 =	vld [tilespmem:s18+$0xFFFFFFF0];
	[tilespmem:s19+$0x3060 ss:$0x81] =	vst.msk $0xffff, v2  }
.Ltmp3:
0x55: {  	v4 =	vld [tilespmem:s18+$0x0];
	[tilespmem:s19+$0x0 ss:$0x81] =	vst.msk $0xffff, v1;
	s19 =	sadd.s32 s23, s20;
	(pc) =	sbr.rel @p1 .LBB1_3-.Ltmp3, $4  }
0x56: {  	v3 =	vld [tilespmem:s18+$0x10];
	[tilespmem:s19+$0x3870 ss:$0x81] =	vst.msk $0xffff, v0  }
0x57: {  	[tilespmem:s19+$0x810 ss:$0x81] =	vst.msk $0xffff, v5;
	v2 =	vld [tilespmem:s18+$0x20]  }
0x58: {  	v1 =	vld [tilespmem:s18+$0xFFFFFFC0];
	[tilespmem:s19+$0x1020 ss:$0x81] =	vst.msk $0xffff, v6;
	s18 =	sadd.s32 $0x80, s18  }
0x59: {  	s22 =	sadd.s32 $0x4, s22;
	v0 =	vld [tilespmem:s18+$0x30];
	[tilespmem:s19+$0x1830 ss:$0x81] =	vst.msk $0xffff, v7  }
.Ltmp4:
0x5a: {  	_ = 	snop;
	(pc) =	sbr.rel .LBB1_4-.Ltmp4, $1  }
0x5b: {  	_ =	sdelay $0x3  }
.LBB1_6:
0x5c: {  	_ =	sfence.sel $0x180000  }
0x5d: {  	s1 =	simm.s32 $0x1;
	[bflag:$0x0] =	sbarrier.arrive $0xFFFF  }
0x5e: {  	s31 =	simm.s32 $0x2;
	[sflag:s1] =	ssyncpa.u1 $0x1  }
0x5f: {  	[sflag:s31] =	ssyncpa.u1 $0x1  }
0x60: {  	p0 =	sne.s32 s0, $0x0;
	_ =	strace $0x90000047  }
0x61: {  	s0 =	sadd.s32 @!p0 $0x100000, s2;
	[bflag:$0x2] =	sbarrier.arrive $0xFFFF  }
0x62: {  	[sflag:s0] =	ssyncadd.tile.s32 @!p0 $0x1;
	_ =	shalt  }
.Lfunc_end1:
_tile_overlayer_lowered:
.L_overlay_start_2:
0x63: {  	(tag) =	ssettag $0x2  }
0x64: {  	s0 =	rddreg [dreg:$0x0];
	s2 =	stileid.u32  }
0x65: {  	s1 =	rddreg [dreg:$0x1];
	p0 =	sne.s32 s2, $0x0  }
0x66: {  	s3 =	rddreg [dreg:$0x2];
	[bflag:$0x3] =	sbarrier.arrive $0xFFFF;
	s2 =	simm.s32 @!p0 $0x1C01  }
0x67: {  	[timem:s3], [sflag:s2] =	dma.local @!p0 [hbm:s0], s1  }
0x68: {  	s0 =	simm.s32 @!p0 $0x1  }
0x69: {  	_ =	swait.ge @!p0 [sflag:s0], s1  }
0x6a: {  	s1 =	ssub.s32 @!p0 $0x0, s1;
	[sflag:s0] =	ssyncset.done @!p0 $0x0  }
0x6b: {  	[sflag:s0] =	ssyncadd.s32 @!p0 s1  }
0x6c: {  	[bflag:$0x3] =	sbarrier.arrive $0xFFFF  }
0x6d: {  	_ =	shalt  }

</sc_bundles>
